<compile_context>
chip_gen: v7x
topology: tpu7x:2x2x1
jax: 0.10.2.dev20260603
libtpu: 0.0.44.dev20260713+nightly
codegen_flags: <defaults>
</compile_context>

<pallas_src>
import functools

import jax
import jax.numpy as jnp
from jax import lax
from jax.experimental import pallas as pl
from jax.experimental.pallas import tpu as pltpu
from jax.experimental.pallas import tpu_sc as plsc

_D = 4096
_N = 8192
_NC = 2
_NS = 16
_NW = _NC * _NS
_PER_W = _N // _NW
_C = 8
_NBUF = 2
_NCHUNK = _PER_W // _C
_NPAIR = _NCHUNK // _NBUF

_mesh = plsc.VectorSubcoreMesh(
    core_axis_name="c", subcore_axis_name="s",
    num_cores=_NC, num_subcores=_NS)


@functools.partial(
    pl.kernel,
    out_type=jax.ShapeDtypeStruct((_N, _D), jnp.float32),
    mesh=_mesh,
    compiler_params=pltpu.CompilerParams(
        disable_bounds_checks=True,
        disable_semaphore_checks=True,
    ),
    scratch_types=[
        pltpu.VMEM((_PER_W,), jnp.int32),
        pltpu.VMEM((_NBUF, _C, _D), jnp.float32),
        pltpu.SemaphoreType.DMA,
        pltpu.SemaphoreType.DMA,
        pltpu.SemaphoreType.DMA,
        pltpu.SemaphoreType.DMA,
    ],
)
def _embed_gather(ids_hbm, table_hbm, out_hbm, idx_v, buf, g0, g1, s0, s1):
    wid = lax.axis_index("s") * _NC + lax.axis_index("c")
    base = wid * _PER_W
    gsem = (g0, g1)
    ssem = (s0, s1)
    pltpu.sync_copy(ids_hbm.at[pl.ds(base, _PER_W)], idx_v)

    def gather_start(c, b):
        row = pl.multiple_of(c * _C, 8)
        pltpu.async_copy(
            table_hbm.at[idx_v.at[pl.ds(row, _C)]], buf.at[b], gsem[b])

    def gather_wait(b):
        pltpu.make_async_copy(
            table_hbm.at[pl.ds(0, _C)], buf.at[b], gsem[b]).wait()

    def scatter_start(c, b):
        row = pl.multiple_of(c * _C, 8)
        pltpu.async_copy(
            buf.at[b], out_hbm.at[pl.ds(base + row, _C)], ssem[b])

    def scatter_wait(b):
        pltpu.make_async_copy(
            buf.at[b], out_hbm.at[pl.ds(base, _C)], ssem[b]).wait()

    for b in range(_NBUF):
        gather_start(b, b)

    @pl.loop(0, _NPAIR - 1)
    def _pair(p):
        c0 = p * _NBUF
        for b in range(_NBUF):
            gather_wait(b)
            scatter_start(c0 + b, b)
        for b in range(_NBUF):
            scatter_wait(b)
            gather_start(c0 + b + _NBUF, b)

    for b in range(_NBUF):
        gather_wait(b)
        scatter_start(_NCHUNK - _NBUF + b, b)
    for b in range(_NBUF):
        scatter_wait(b)


def kernel(input_ids, embed_table):
    ids = input_ids.reshape(-1).astype(jnp.int32)
    out = _embed_gather(ids, embed_table)
    return out.reshape(input_ids.shape + (embed_table.shape[1],))

# --- scband reference (transcript-rebuilt; emitter-appended) ---
"""Pipeline reference for scband-embedding-76416058130816 (READ-ONLY COPY).

The authoritative reference and input builder live on the scoring server;
editing this copy changes nothing except your own understanding.
"""

import jax, jax.numpy as jnp
import numpy as np

VOCAB = 32000
D_MODEL = 4096
BATCH = 4
SEQ = 2048

def setup_inputs(seed: int = 0) -> dict:
    key = jax.random.key(seed)
    k_ids, k_tab = jax.random.split(key)
    input_ids = jax.random.randint(k_ids, (BATCH, SEQ), 0, VOCAB, dtype=jnp.int64 if jax.config.jax_enable_x64 else jnp.int32)
    embed_table = jax.random.normal(k_tab, (VOCAB, D_MODEL), dtype=jnp.float32) * 0.02
    return {"input_ids": input_ids, "embed_table": embed_table}

def reference(input_ids, embed_table):
    # Faithful translation of llama.embed_tokens(input_ids):
    # a plain embedding lookup (gather rows of the table by token id).
    return jnp.take(embed_table, input_ids, axis=0)

if __name__ == "__main__":
    import jax
    _d = setup_inputs()
    print(jax.jit(kernel)(*tuple(_d.values())))

</pallas_src>

<mosaic_0001>
#map = affine_map<(d0, d1) -> (0)>
#map1 = affine_map<(d0, d1) -> (0, 0)>
module attributes {stable_mosaic.version = 14 : i64} {
  func.func @_embed_gather(%arg0: i32, %arg1: i32, %arg2: memref<8192xi32, #tpu.memory_space<hbm>>, %arg3: memref<32000x4096xf32, #tpu.memory_space<hbm>>, %arg4: memref<8192x4096xf32, #tpu.memory_space<hbm>>, %arg5: memref<256xi32, #tpu.memory_space<vmem>>, %arg6: memref<2x8x4096xf32, #tpu.memory_space<vmem>>, %arg7: memref<!tpu.dma_semaphore, #tpu.memory_space<semaphore_mem>>, %arg8: memref<!tpu.dma_semaphore, #tpu.memory_space<semaphore_mem>>, %arg9: memref<!tpu.dma_semaphore, #tpu.memory_space<semaphore_mem>>, %arg10: memref<!tpu.dma_semaphore, #tpu.memory_space<semaphore_mem>>) attributes {dimension_semantics = [#tpu.dimension_semantics<core_parallel>, #tpu.dimension_semantics<subcore_parallel>], iteration_bounds = array<i64: 2, 16>, scalar_prefetch = 0 : i64, scratch_operands = 6 : i64, tpu.core_type = #tpu.core_type<sc_vector_subcore>, window_params = [{transform_indices = #map}, {transform_indices = #map1}, {transform_indices = #map1}]} {
    %mul3A = arith.constant 2 : i32
    %mul3A_0 = arith.muli %arg1, %mul3A : i32
    %add3A = arith.addi %mul3A_0, %arg0 : i32
    %mul3A_1 = arith.constant 256 : i32
    %mul3A_2 = arith.muli %add3A, %mul3A_1 : i32
    "tpu.region"() ({
      %run_scoped3A = tpu.sem_alloc : memref<!tpu.dma_semaphore, #tpu.memory_space<semaphore_mem>>
      %dma_start3A_114 = tpu.memref_slice %arg2[%mul3A_2] : memref<8192xi32, #tpu.memory_space<hbm>> -> memref<256xi32, #tpu.memory_space<hbm>>
      %dma_start3A_115 = tpu.memref_slice %arg2[%mul3A_2] : memref<8192xi32, #tpu.memory_space<hbm>> -> memref<256xi32, #tpu.memory_space<hbm>>
      tpu.enqueue_dma source(%dma_start3A_115 : memref<256xi32, #tpu.memory_space<hbm>>) target(%arg5 : memref<256xi32, #tpu.memory_space<vmem>>) target_semaphore(%run_scoped3A : memref<!tpu.dma_semaphore, #tpu.memory_space<semaphore_mem>>)
      %dma_wait3A_116 = tpu.memref_slice %arg2[%mul3A_2] : memref<8192xi32, #tpu.memory_space<hbm>> -> memref<256xi32, #tpu.memory_space<hbm>>
      %dma_wait3A_117 = tpu.memref_slice %arg2[%mul3A_2] : memref<8192xi32, #tpu.memory_space<hbm>> -> memref<256xi32, #tpu.memory_space<hbm>>
      tpu.wait_dma2 semaphore(%run_scoped3A : memref<!tpu.dma_semaphore, #tpu.memory_space<semaphore_mem>>) src(%dma_wait3A_117 : memref<256xi32, #tpu.memory_space<hbm>>) dst(%arg5 : memref<256xi32, #tpu.memory_space<vmem>>)
      tpu.yield
    }) : () -> ()
    %multiple_of3A = arith.constant 0 : i32
    %multiple_of3A_3 = tpu.assume_multiple %multiple_of3A, 8 : i32
    %dma_start3A = arith.constant 0 : i32
    %dma_start3A_4 = arith.constant 0 : i32
    %dma_start3A_5 = arith.constant 0 : i32
    %dma_start3A_6 = tpu.memref_slice %arg6[%dma_start3A, %dma_start3A_4, %dma_start3A_5] : memref<2x8x4096xf32, #tpu.memory_space<vmem>> -> memref<1x8x4096xf32, #tpu.memory_space<vmem>>
    %dma_start3A_7 = tpu.memref_squeeze %dma_start3A_6 : memref<1x8x4096xf32, #tpu.memory_space<vmem>> -> memref<8x4096xf32, #tpu.memory_space<vmem>>
    %dma_start3A_8 = tpu.memref_slice %arg5[%multiple_of3A_3] : memref<256xi32, #tpu.memory_space<vmem>> -> memref<8xi32, #tpu.memory_space<vmem>>
    %dma_start3A_9 = arith.constant 0 : i32
    %dma_start3A_10 = arith.constant 0 : i32
    %dma_start3A_11 = tpu.memref_slice %arg3[%dma_start3A_9, %dma_start3A_10] : memref<32000x4096xf32, #tpu.memory_space<hbm>> -> memref<32000x4096xf32, #tpu.memory_space<hbm>>
    tpu.enqueue_indirect_dma source(%dma_start3A_11 : memref<32000x4096xf32, #tpu.memory_space<hbm>>) target(%dma_start3A_7 : memref<8x4096xf32, #tpu.memory_space<vmem>>) offsets(%dma_start3A_8 : memref<8xi32, #tpu.memory_space<vmem>>) semaphore(%arg7 : memref<!tpu.dma_semaphore, #tpu.memory_space<semaphore_mem>>)
    %multiple_of3A_12 = arith.constant 8 : i32
    %multiple_of3A_13 = tpu.assume_multiple %multiple_of3A_12, 8 : i32
    %dma_start3A_14 = arith.constant 1 : i32
    %dma_start3A_15 = arith.constant 0 : i32
    %dma_start3A_16 = arith.constant 0 : i32
    %dma_start3A_17 = tpu.memref_slice %arg6[%dma_start3A_14, %dma_start3A_15, %dma_start3A_16] : memref<2x8x4096xf32, #tpu.memory_space<vmem>> -> memref<1x8x4096xf32, #tpu.memory_space<vmem>>
    %dma_start3A_18 = tpu.memref_squeeze %dma_start3A_17 : memref<1x8x4096xf32, #tpu.memory_space<vmem>> -> memref<8x4096xf32, #tpu.memory_space<vmem>>
    %dma_start3A_19 = tpu.memref_slice %arg5[%multiple_of3A_13] : memref<256xi32, #tpu.memory_space<vmem>> -> memref<8xi32, #tpu.memory_space<vmem>>
    %dma_start3A_20 = arith.constant 0 : i32
    %dma_start3A_21 = arith.constant 0 : i32
    %dma_start3A_22 = tpu.memref_slice %arg3[%dma_start3A_20, %dma_start3A_21] : memref<32000x4096xf32, #tpu.memory_space<hbm>> -> memref<32000x4096xf32, #tpu.memory_space<hbm>>
    tpu.enqueue_indirect_dma source(%dma_start3A_22 : memref<32000x4096xf32, #tpu.memory_space<hbm>>) target(%dma_start3A_18 : memref<8x4096xf32, #tpu.memory_space<vmem>>) offsets(%dma_start3A_19 : memref<8xi32, #tpu.memory_space<vmem>>) semaphore(%arg8 : memref<!tpu.dma_semaphore, #tpu.memory_space<semaphore_mem>>)
    %scan3A = arith.constant 0 : i32
    %scan3A_23 = arith.constant 15 : i32
    %scan3A_24 = arith.addi %scan3A, %scan3A_23 : i32
    %scan3A_25 = arith.constant 1 : i32
    scf.for %scan3A_114 = %scan3A to %scan3A_24 step %scan3A_25  : i32 {
      %mul3A_115 = arith.constant 1 : i32
      %mul3A_116 = arith.muli %scan3A_114, %mul3A_115 : i32
      %add3A_117 = arith.constant 0 : i32
      %add3A_118 = arith.addi %add3A_117, %mul3A_116 : i32
      %mul3A_119 = arith.constant 2 : i32
      %mul3A_120 = arith.muli %add3A_118, %mul3A_119 : i32
      %dma_wait3A_121 = arith.constant 0 : i32
      %dma_wait3A_122 = arith.constant 0 : i32
      %dma_wait3A_123 = arith.constant 0 : i32
      %dma_wait3A_124 = tpu.memref_slice %arg6[%dma_wait3A_121, %dma_wait3A_122, %dma_wait3A_123] : memref<2x8x4096xf32, #tpu.memory_space<vmem>> -> memref<1x8x4096xf32, #tpu.memory_space<vmem>>
      %dma_wait3A_125 = tpu.memref_squeeze %dma_wait3A_124 : memref<1x8x4096xf32, #tpu.memory_space<vmem>> -> memref<8x4096xf32, #tpu.memory_space<vmem>>
      %dma_wait3A_126 = arith.constant 0 : i32
      %dma_wait3A_127 = arith.constant 0 : i32
      %dma_wait3A_128 = tpu.memref_slice %arg3[%dma_wait3A_126, %dma_wait3A_127] : memref<32000x4096xf32, #tpu.memory_space<hbm>> -> memref<8x4096xf32, #tpu.memory_space<hbm>>
      %dma_wait3A_129 = arith.constant 0 : i32
      %dma_wait3A_130 = arith.constant 0 : i32
      %dma_wait3A_131 = tpu.memref_slice %arg6[%dma_wait3A_121, %dma_wait3A_129, %dma_wait3A_130] : memref<2x8x4096xf32, #tpu.memory_space<vmem>> -> memref<1x8x4096xf32, #tpu.memory_space<vmem>>
      %dma_wait3A_132 = tpu.memref_squeeze %dma_wait3A_131 : memref<1x8x4096xf32, #tpu.memory_space<vmem>> -> memref<8x4096xf32, #tpu.memory_space<vmem>>
      %dma_wait3A_133 = arith.constant 0 : i32
      %dma_wait3A_134 = arith.constant 0 : i32
      %dma_wait3A_135 = tpu.memref_slice %arg3[%dma_wait3A_133, %dma_wait3A_134] : memref<32000x4096xf32, #tpu.memory_space<hbm>> -> memref<8x4096xf32, #tpu.memory_space<hbm>>
      tpu.wait_dma2 semaphore(%arg7 : memref<!tpu.dma_semaphore, #tpu.memory_space<semaphore_mem>>) src(%dma_wait3A_135 : memref<8x4096xf32, #tpu.memory_space<hbm>>) dst(%dma_wait3A_132 : memref<8x4096xf32, #tpu.memory_space<vmem>>)
      %add3A_136 = arith.constant 0 : i32
      %add3A_137 = arith.addi %mul3A_120, %add3A_136 : i32
      %mul3A_138 = arith.constant 8 : i32
      %mul3A_139 = arith.muli %add3A_137, %mul3A_138 : i32
      %multiple_of3A_140 = tpu.assume_multiple %mul3A_139, 8 : i32
      %add3A_141 = arith.addi %mul3A_2, %multiple_of3A_140 : i32
      %dma_start3A_142 = arith.constant 0 : i32
      %dma_start3A_143 = arith.constant 0 : i32
      %dma_start3A_144 = arith.constant 0 : i32
      %dma_start3A_145 = tpu.memref_slice %arg6[%dma_start3A_142, %dma_start3A_143, %dma_start3A_144] : memref<2x8x4096xf32, #tpu.memory_space<vmem>> -> memref<1x8x4096xf32, #tpu.memory_space<vmem>>
      %dma_start3A_146 = tpu.memref_squeeze %dma_start3A_145 : memref<1x8x4096xf32, #tpu.memory_space<vmem>> -> memref<8x4096xf32, #tpu.memory_space<vmem>>
      %dma_start3A_147 = arith.constant 0 : i32
      %dma_start3A_148 = tpu.memref_slice %arg4[%add3A_141, %dma_start3A_147] : memref<8192x4096xf32, #tpu.memory_space<hbm>> -> memref<8x4096xf32, #tpu.memory_space<hbm>>
      %dma_start3A_149 = arith.constant 0 : i32
      %dma_start3A_150 = tpu.memref_slice %arg4[%add3A_141, %dma_start3A_149] : memref<8192x4096xf32, #tpu.memory_space<hbm>> -> memref<8x4096xf32, #tpu.memory_space<hbm>>
      %dma_start3A_151 = arith.constant 0 : i32
      %dma_start3A_152 = arith.constant 0 : i32
      %dma_start3A_153 = tpu.memref_slice %arg6[%dma_start3A_142, %dma_start3A_151, %dma_start3A_152] : memref<2x8x4096xf32, #tpu.memory_space<vmem>> -> memref<1x8x4096xf32, #tpu.memory_space<vmem>>
      %dma_start3A_154 = tpu.memref_squeeze %dma_start3A_153 : memref<1x8x4096xf32, #tpu.memory_space<vmem>> -> memref<8x4096xf32, #tpu.memory_space<vmem>>
      tpu.enqueue_dma source(%dma_start3A_154 : memref<8x4096xf32, #tpu.memory_space<vmem>>) target(%dma_start3A_150 : memref<8x4096xf32, #tpu.memory_space<hbm>>) target_semaphore(%arg9 : memref<!tpu.dma_semaphore, #tpu.memory_space<semaphore_mem>>)
      %dma_wait3A_155 = arith.constant 1 : i32
      %dma_wait3A_156 = arith.constant 0 : i32
      %dma_wait3A_157 = arith.constant 0 : i32
      %dma_wait3A_158 = tpu.memref_slice %arg6[%dma_wait3A_155, %dma_wait3A_156, %dma_wait3A_157] : memref<2x8x4096xf32, #tpu.memory_space<vmem>> -> memref<1x8x4096xf32, #tpu.memory_space<vmem>>
      %dma_wait3A_159 = tpu.memref_squeeze %dma_wait3A_158 : memref<1x8x4096xf32, #tpu.memory_space<vmem>> -> memref<8x4096xf32, #tpu.memory_space<vmem>>
      %dma_wait3A_160 = arith.constant 0 : i32
      %dma_wait3A_161 = arith.constant 0 : i32
      %dma_wait3A_162 = tpu.memref_slice %arg3[%dma_wait3A_160, %dma_wait3A_161] : memref<32000x4096xf32, #tpu.memory_space<hbm>> -> memref<8x4096xf32, #tpu.memory_space<hbm>>
      %dma_wait3A_163 = arith.constant 0 : i32
      %dma_wait3A_164 = arith.constant 0 : i32
      %dma_wait3A_165 = tpu.memref_slice %arg6[%dma_wait3A_155, %dma_wait3A_163, %dma_wait3A_164] : memref<2x8x4096xf32, #tpu.memory_space<vmem>> -> memref<1x8x4096xf32, #tpu.memory_space<vmem>>
      %dma_wait3A_166 = tpu.memref_squeeze %dma_wait3A_165 : memref<1x8x4096xf32, #tpu.memory_space<vmem>> -> memref<8x4096xf32, #tpu.memory_space<vmem>>
      %dma_wait3A_167 = arith.constant 0 : i32
      %dma_wait3A_168 = arith.constant 0 : i32
      %dma_wait3A_169 = tpu.memref_slice %arg3[%dma_wait3A_167, %dma_wait3A_168] : memref<32000x4096xf32, #tpu.memory_space<hbm>> -> memref<8x4096xf32, #tpu.memory_space<hbm>>
      tpu.wait_dma2 semaphore(%arg8 : memref<!tpu.dma_semaphore, #tpu.memory_space<semaphore_mem>>) src(%dma_wait3A_169 : memref<8x4096xf32, #tpu.memory_space<hbm>>) dst(%dma_wait3A_166 : memref<8x4096xf32, #tpu.memory_space<vmem>>)
      %add3A_170 = arith.constant 1 : i32
      %add3A_171 = arith.addi %mul3A_120, %add3A_170 : i32
      %mul3A_172 = arith.constant 8 : i32
      %mul3A_173 = arith.muli %add3A_171, %mul3A_172 : i32
      %multiple_of3A_174 = tpu.assume_multiple %mul3A_173, 8 : i32
      %add3A_175 = arith.addi %mul3A_2, %multiple_of3A_174 : i32
      %dma_start3A_176 = arith.constant 1 : i32
      %dma_start3A_177 = arith.constant 0 : i32
      %dma_start3A_178 = arith.constant 0 : i32
      %dma_start3A_179 = tpu.memref_slice %arg6[%dma_start3A_176, %dma_start3A_177, %dma_start3A_178] : memref<2x8x4096xf32, #tpu.memory_space<vmem>> -> memref<1x8x4096xf32, #tpu.memory_space<vmem>>
      %dma_start3A_180 = tpu.memref_squeeze %dma_start3A_179 : memref<1x8x4096xf32, #tpu.memory_space<vmem>> -> memref<8x4096xf32, #tpu.memory_space<vmem>>
      %dma_start3A_181 = arith.constant 0 : i32
      %dma_start3A_182 = tpu.memref_slice %arg4[%add3A_175, %dma_start3A_181] : memref<8192x4096xf32, #tpu.memory_space<hbm>> -> memref<8x4096xf32, #tpu.memory_space<hbm>>
      %dma_start3A_183 = arith.constant 0 : i32
      %dma_start3A_184 = tpu.memref_slice %arg4[%add3A_175, %dma_start3A_183] : memref<8192x4096xf32, #tpu.memory_space<hbm>> -> memref<8x4096xf32, #tpu.memory_space<hbm>>
      %dma_start3A_185 = arith.constant 0 : i32
      %dma_start3A_186 = arith.constant 0 : i32
      %dma_start3A_187 = tpu.memref_slice %arg6[%dma_start3A_176, %dma_start3A_185, %dma_start3A_186] : memref<2x8x4096xf32, #tpu.memory_space<vmem>> -> memref<1x8x4096xf32, #tpu.memory_space<vmem>>
      %dma_start3A_188 = tpu.memref_squeeze %dma_start3A_187 : memref<1x8x4096xf32, #tpu.memory_space<vmem>> -> memref<8x4096xf32, #tpu.memory_space<vmem>>
      tpu.enqueue_dma source(%dma_start3A_188 : memref<8x4096xf32, #tpu.memory_space<vmem>>) target(%dma_start3A_184 : memref<8x4096xf32, #tpu.memory_space<hbm>>) target_semaphore(%arg10 : memref<!tpu.dma_semaphore, #tpu.memory_space<semaphore_mem>>)
      %dma_wait3A_189 = arith.constant 0 : i32
      %dma_wait3A_190 = arith.constant 0 : i32
      %dma_wait3A_191 = arith.constant 0 : i32
      %dma_wait3A_192 = tpu.memref_slice %arg6[%dma_wait3A_189, %dma_wait3A_190, %dma_wait3A_191] : memref<2x8x4096xf32, #tpu.memory_space<vmem>> -> memref<1x8x4096xf32, #tpu.memory_space<vmem>>
      %dma_wait3A_193 = tpu.memref_squeeze %dma_wait3A_192 : memref<1x8x4096xf32, #tpu.memory_space<vmem>> -> memref<8x4096xf32, #tpu.memory_space<vmem>>
      %dma_wait3A_194 = arith.constant 0 : i32
      %dma_wait3A_195 = tpu.memref_slice %arg4[%mul3A_2, %dma_wait3A_194] : memref<8192x4096xf32, #tpu.memory_space<hbm>> -> memref<8x4096xf32, #tpu.memory_space<hbm>>
      %dma_wait3A_196 = arith.constant 0 : i32
      %dma_wait3A_197 = tpu.memref_slice %arg4[%mul3A_2, %dma_wait3A_196] : memref<8192x4096xf32, #tpu.memory_space<hbm>> -> memref<8x4096xf32, #tpu.memory_space<hbm>>
      %dma_wait3A_198 = arith.constant 0 : i32
      %dma_wait3A_199 = arith.constant 0 : i32
      %dma_wait3A_200 = tpu.memref_slice %arg6[%dma_wait3A_189, %dma_wait3A_198, %dma_wait3A_199] : memref<2x8x4096xf32, #tpu.memory_space<vmem>> -> memref<1x8x4096xf32, #tpu.memory_space<vmem>>
      %dma_wait3A_201 = tpu.memref_squeeze %dma_wait3A_200 : memref<1x8x4096xf32, #tpu.memory_space<vmem>> -> memref<8x4096xf32, #tpu.memory_space<vmem>>
      tpu.wait_dma2 semaphore(%arg9 : memref<!tpu.dma_semaphore, #tpu.memory_space<semaphore_mem>>) src(%dma_wait3A_201 : memref<8x4096xf32, #tpu.memory_space<vmem>>) dst(%dma_wait3A_197 : memref<8x4096xf32, #tpu.memory_space<hbm>>)
      %add3A_202 = arith.constant 0 : i32
      %add3A_203 = arith.addi %mul3A_120, %add3A_202 : i32
      %add3A_204 = arith.constant 2 : i32
      %add3A_205 = arith.addi %add3A_203, %add3A_204 : i32
      %mul3A_206 = arith.constant 8 : i32
      %mul3A_207 = arith.muli %add3A_205, %mul3A_206 : i32
      %multiple_of3A_208 = tpu.assume_multiple %mul3A_207, 8 : i32
      %dma_start3A_209 = arith.constant 0 : i32
      %dma_start3A_210 = arith.constant 0 : i32
      %dma_start3A_211 = arith.constant 0 : i32
      %dma_start3A_212 = tpu.memref_slice %arg6[%dma_start3A_209, %dma_start3A_210, %dma_start3A_211] : memref<2x8x4096xf32, #tpu.memory_space<vmem>> -> memref<1x8x4096xf32, #tpu.memory_space<vmem>>
      %dma_start3A_213 = tpu.memref_squeeze %dma_start3A_212 : memref<1x8x4096xf32, #tpu.memory_space<vmem>> -> memref<8x4096xf32, #tpu.memory_space<vmem>>
      %dma_start3A_214 = tpu.memref_slice %arg5[%multiple_of3A_208] : memref<256xi32, #tpu.memory_space<vmem>> -> memref<8xi32, #tpu.memory_space<vmem>>
      %dma_start3A_215 = arith.constant 0 : i32
      %dma_start3A_216 = arith.constant 0 : i32
      %dma_start3A_217 = tpu.memref_slice %arg3[%dma_start3A_215, %dma_start3A_216] : memref<32000x4096xf32, #tpu.memory_space<hbm>> -> memref<32000x4096xf32, #tpu.memory_space<hbm>>
      tpu.enqueue_indirect_dma source(%dma_start3A_217 : memref<32000x4096xf32, #tpu.memory_space<hbm>>) target(%dma_start3A_213 : memref<8x4096xf32, #tpu.memory_space<vmem>>) offsets(%dma_start3A_214 : memref<8xi32, #tpu.memory_space<vmem>>) semaphore(%arg7 : memref<!tpu.dma_semaphore, #tpu.memory_space<semaphore_mem>>)
      %dma_wait3A_218 = arith.constant 1 : i32
      %dma_wait3A_219 = arith.constant 0 : i32
      %dma_wait3A_220 = arith.constant 0 : i32
      %dma_wait3A_221 = tpu.memref_slice %arg6[%dma_wait3A_218, %dma_wait3A_219, %dma_wait3A_220] : memref<2x8x4096xf32, #tpu.memory_space<vmem>> -> memref<1x8x4096xf32, #tpu.memory_space<vmem>>
      %dma_wait3A_222 = tpu.memref_squeeze %dma_wait3A_221 : memref<1x8x4096xf32, #tpu.memory_space<vmem>> -> memref<8x4096xf32, #tpu.memory_space<vmem>>
      %dma_wait3A_223 = arith.constant 0 : i32
      %dma_wait3A_224 = tpu.memref_slice %arg4[%mul3A_2, %dma_wait3A_223] : memref<8192x4096xf32, #tpu.memory_space<hbm>> -> memref<8x4096xf32, #tpu.memory_space<hbm>>
      %dma_wait3A_225 = arith.constant 0 : i32
      %dma_wait3A_226 = tpu.memref_slice %arg4[%mul3A_2, %dma_wait3A_225] : memref<8192x4096xf32, #tpu.memory_space<hbm>> -> memref<8x4096xf32, #tpu.memory_space<hbm>>
      %dma_wait3A_227 = arith.constant 0 : i32
      %dma_wait3A_228 = arith.constant 0 : i32
      %dma_wait3A_229 = tpu.memref_slice %arg6[%dma_wait3A_218, %dma_wait3A_227, %dma_wait3A_228] : memref<2x8x4096xf32, #tpu.memory_space<vmem>> -> memref<1x8x4096xf32, #tpu.memory_space<vmem>>
      %dma_wait3A_230 = tpu.memref_squeeze %dma_wait3A_229 : memref<1x8x4096xf32, #tpu.memory_space<vmem>> -> memref<8x4096xf32, #tpu.memory_space<vmem>>
      tpu.wait_dma2 semaphore(%arg10 : memref<!tpu.dma_semaphore, #tpu.memory_space<semaphore_mem>>) src(%dma_wait3A_230 : memref<8x4096xf32, #tpu.memory_space<vmem>>) dst(%dma_wait3A_226 : memref<8x4096xf32, #tpu.memory_space<hbm>>)
      %add3A_231 = arith.constant 1 : i32
      %add3A_232 = arith.addi %mul3A_120, %add3A_231 : i32
      %add3A_233 = arith.constant 2 : i32
      %add3A_234 = arith.addi %add3A_232, %add3A_233 : i32
      %mul3A_235 = arith.constant 8 : i32
      %mul3A_236 = arith.muli %add3A_234, %mul3A_235 : i32
      %multiple_of3A_237 = tpu.assume_multiple %mul3A_236, 8 : i32
      %dma_start3A_238 = arith.constant 1 : i32
      %dma_start3A_239 = arith.constant 0 : i32
      %dma_start3A_240 = arith.constant 0 : i32
      %dma_start3A_241 = tpu.memref_slice %arg6[%dma_start3A_238, %dma_start3A_239, %dma_start3A_240] : memref<2x8x4096xf32, #tpu.memory_space<vmem>> -> memref<1x8x4096xf32, #tpu.memory_space<vmem>>
      %dma_start3A_242 = tpu.memref_squeeze %dma_start3A_241 : memref<1x8x4096xf32, #tpu.memory_space<vmem>> -> memref<8x4096xf32, #tpu.memory_space<vmem>>
      %dma_start3A_243 = tpu.memref_slice %arg5[%multiple_of3A_237] : memref<256xi32, #tpu.memory_space<vmem>> -> memref<8xi32, #tpu.memory_space<vmem>>
      %dma_start3A_244 = arith.constant 0 : i32
      %dma_start3A_245 = arith.constant 0 : i32
      %dma_start3A_246 = tpu.memref_slice %arg3[%dma_start3A_244, %dma_start3A_245] : memref<32000x4096xf32, #tpu.memory_space<hbm>> -> memref<32000x4096xf32, #tpu.memory_space<hbm>>
      tpu.enqueue_indirect_dma source(%dma_start3A_246 : memref<32000x4096xf32, #tpu.memory_space<hbm>>) target(%dma_start3A_242 : memref<8x4096xf32, #tpu.memory_space<vmem>>) offsets(%dma_start3A_243 : memref<8xi32, #tpu.memory_space<vmem>>) semaphore(%arg8 : memref<!tpu.dma_semaphore, #tpu.memory_space<semaphore_mem>>)
    }
    %scan3A_26 = arith.constant 15 : i32
    %dma_wait3A = arith.constant 0 : i32
    %dma_wait3A_27 = arith.constant 0 : i32
    %dma_wait3A_28 = arith.constant 0 : i32
    %dma_wait3A_29 = tpu.memref_slice %arg6[%dma_wait3A, %dma_wait3A_27, %dma_wait3A_28] : memref<2x8x4096xf32, #tpu.memory_space<vmem>> -> memref<1x8x4096xf32, #tpu.memory_space<vmem>>
    %dma_wait3A_30 = tpu.memref_squeeze %dma_wait3A_29 : memref<1x8x4096xf32, #tpu.memory_space<vmem>> -> memref<8x4096xf32, #tpu.memory_space<vmem>>
    %dma_wait3A_31 = arith.constant 0 : i32
    %dma_wait3A_32 = arith.constant 0 : i32
    %dma_wait3A_33 = tpu.memref_slice %arg3[%dma_wait3A_31, %dma_wait3A_32] : memref<32000x4096xf32, #tpu.memory_space<hbm>> -> memref<8x4096xf32, #tpu.memory_space<hbm>>
    %dma_wait3A_34 = arith.constant 0 : i32
    %dma_wait3A_35 = arith.constant 0 : i32
    %dma_wait3A_36 = tpu.memref_slice %arg6[%dma_wait3A, %dma_wait3A_34, %dma_wait3A_35] : memref<2x8x4096xf32, #tpu.memory_space<vmem>> -> memref<1x8x4096xf32, #tpu.memory_space<vmem>>
    %dma_wait3A_37 = tpu.memref_squeeze %dma_wait3A_36 : memref<1x8x4096xf32, #tpu.memory_space<vmem>> -> memref<8x4096xf32, #tpu.memory_space<vmem>>
    %dma_wait3A_38 = arith.constant 0 : i32
    %dma_wait3A_39 = arith.constant 0 : i32
    %dma_wait3A_40 = tpu.memref_slice %arg3[%dma_wait3A_38, %dma_wait3A_39] : memref<32000x4096xf32, #tpu.memory_space<hbm>> -> memref<8x4096xf32, #tpu.memory_space<hbm>>
    tpu.wait_dma2 semaphore(%arg7 : memref<!tpu.dma_semaphore, #tpu.memory_space<semaphore_mem>>) src(%dma_wait3A_40 : memref<8x4096xf32, #tpu.memory_space<hbm>>) dst(%dma_wait3A_37 : memref<8x4096xf32, #tpu.memory_space<vmem>>)
    %multiple_of3A_41 = arith.constant 240 : i32
    %multiple_of3A_42 = tpu.assume_multiple %multiple_of3A_41, 8 : i32
    %add3A_43 = arith.addi %mul3A_2, %multiple_of3A_42 : i32
    %dma_start3A_44 = arith.constant 0 : i32
    %dma_start3A_45 = arith.constant 0 : i32
    %dma_start3A_46 = arith.constant 0 : i32
    %dma_start3A_47 = tpu.memref_slice %arg6[%dma_start3A_44, %dma_start3A_45, %dma_start3A_46] : memref<2x8x4096xf32, #tpu.memory_space<vmem>> -> memref<1x8x4096xf32, #tpu.memory_space<vmem>>
    %dma_start3A_48 = tpu.memref_squeeze %dma_start3A_47 : memref<1x8x4096xf32, #tpu.memory_space<vmem>> -> memref<8x4096xf32, #tpu.memory_space<vmem>>
    %dma_start3A_49 = arith.constant 0 : i32
    %dma_start3A_50 = tpu.memref_slice %arg4[%add3A_43, %dma_start3A_49] : memref<8192x4096xf32, #tpu.memory_space<hbm>> -> memref<8x4096xf32, #tpu.memory_space<hbm>>
    %dma_start3A_51 = arith.constant 0 : i32
    %dma_start3A_52 = tpu.memref_slice %arg4[%add3A_43, %dma_start3A_51] : memref<8192x4096xf32, #tpu.memory_space<hbm>> -> memref<8x4096xf32, #tpu.memory_space<hbm>>
    %dma_start3A_53 = arith.constant 0 : i32
    %dma_start3A_54 = arith.constant 0 : i32
    %dma_start3A_55 = tpu.memref_slice %arg6[%dma_start3A_44, %dma_start3A_53, %dma_start3A_54] : memref<2x8x4096xf32, #tpu.memory_space<vmem>> -> memref<1x8x4096xf32, #tpu.memory_space<vmem>>
    %dma_start3A_56 = tpu.memref_squeeze %dma_start3A_55 : memref<1x8x4096xf32, #tpu.memory_space<vmem>> -> memref<8x4096xf32, #tpu.memory_space<vmem>>
    tpu.enqueue_dma source(%dma_start3A_56 : memref<8x4096xf32, #tpu.memory_space<vmem>>) target(%dma_start3A_52 : memref<8x4096xf32, #tpu.memory_space<hbm>>) target_semaphore(%arg9 : memref<!tpu.dma_semaphore, #tpu.memory_space<semaphore_mem>>)
    %dma_wait3A_57 = arith.constant 1 : i32
    %dma_wait3A_58 = arith.constant 0 : i32
    %dma_wait3A_59 = arith.constant 0 : i32
    %dma_wait3A_60 = tpu.memref_slice %arg6[%dma_wait3A_57, %dma_wait3A_58, %dma_wait3A_59] : memref<2x8x4096xf32, #tpu.memory_space<vmem>> -> memref<1x8x4096xf32, #tpu.memory_space<vmem>>
    %dma_wait3A_61 = tpu.memref_squeeze %dma_wait3A_60 : memref<1x8x4096xf32, #tpu.memory_space<vmem>> -> memref<8x4096xf32, #tpu.memory_space<vmem>>
    %dma_wait3A_62 = arith.constant 0 : i32
    %dma_wait3A_63 = arith.constant 0 : i32
    %dma_wait3A_64 = tpu.memref_slice %arg3[%dma_wait3A_62, %dma_wait3A_63] : memref<32000x4096xf32, #tpu.memory_space<hbm>> -> memref<8x4096xf32, #tpu.memory_space<hbm>>
    %dma_wait3A_65 = arith.constant 0 : i32
    %dma_wait3A_66 = arith.constant 0 : i32
    %dma_wait3A_67 = tpu.memref_slice %arg6[%dma_wait3A_57, %dma_wait3A_65, %dma_wait3A_66] : memref<2x8x4096xf32, #tpu.memory_space<vmem>> -> memref<1x8x4096xf32, #tpu.memory_space<vmem>>
    %dma_wait3A_68 = tpu.memref_squeeze %dma_wait3A_67 : memref<1x8x4096xf32, #tpu.memory_space<vmem>> -> memref<8x4096xf32, #tpu.memory_space<vmem>>
    %dma_wait3A_69 = arith.constant 0 : i32
    %dma_wait3A_70 = arith.constant 0 : i32
    %dma_wait3A_71 = tpu.memref_slice %arg3[%dma_wait3A_69, %dma_wait3A_70] : memref<32000x4096xf32, #tpu.memory_space<hbm>> -> memref<8x4096xf32, #tpu.memory_space<hbm>>
    tpu.wait_dma2 semaphore(%arg8 : memref<!tpu.dma_semaphore, #tpu.memory_space<semaphore_mem>>) src(%dma_wait3A_71 : memref<8x4096xf32, #tpu.memory_space<hbm>>) dst(%dma_wait3A_68 : memref<8x4096xf32, #tpu.memory_space<vmem>>)
    %multiple_of3A_72 = arith.constant 248 : i32
    %multiple_of3A_73 = tpu.assume_multiple %multiple_of3A_72, 8 : i32
    %add3A_74 = arith.addi %mul3A_2, %multiple_of3A_73 : i32
    %dma_start3A_75 = arith.constant 1 : i32
    %dma_start3A_76 = arith.constant 0 : i32
    %dma_start3A_77 = arith.constant 0 : i32
    %dma_start3A_78 = tpu.memref_slice %arg6[%dma_start3A_75, %dma_start3A_76, %dma_start3A_77] : memref<2x8x4096xf32, #tpu.memory_space<vmem>> -> memref<1x8x4096xf32, #tpu.memory_space<vmem>>
    %dma_start3A_79 = tpu.memref_squeeze %dma_start3A_78 : memref<1x8x4096xf32, #tpu.memory_space<vmem>> -> memref<8x4096xf32, #tpu.memory_space<vmem>>
    %dma_start3A_80 = arith.constant 0 : i32
    %dma_start3A_81 = tpu.memref_slice %arg4[%add3A_74, %dma_start3A_80] : memref<8192x4096xf32, #tpu.memory_space<hbm>> -> memref<8x4096xf32, #tpu.memory_space<hbm>>
    %dma_start3A_82 = arith.constant 0 : i32
    %dma_start3A_83 = tpu.memref_slice %arg4[%add3A_74, %dma_start3A_82] : memref<8192x4096xf32, #tpu.memory_space<hbm>> -> memref<8x4096xf32, #tpu.memory_space<hbm>>
    %dma_start3A_84 = arith.constant 0 : i32
    %dma_start3A_85 = arith.constant 0 : i32
    %dma_start3A_86 = tpu.memref_slice %arg6[%dma_start3A_75, %dma_start3A_84, %dma_start3A_85] : memref<2x8x4096xf32, #tpu.memory_space<vmem>> -> memref<1x8x4096xf32, #tpu.memory_space<vmem>>
    %dma_start3A_87 = tpu.memref_squeeze %dma_start3A_86 : memref<1x8x4096xf32, #tpu.memory_space<vmem>> -> memref<8x4096xf32, #tpu.memory_space<vmem>>
    tpu.enqueue_dma source(%dma_start3A_87 : memref<8x4096xf32, #tpu.memory_space<vmem>>) target(%dma_start3A_83 : memref<8x4096xf32, #tpu.memory_space<hbm>>) target_semaphore(%arg10 : memref<!tpu.dma_semaphore, #tpu.memory_space<semaphore_mem>>)
    %dma_wait3A_88 = arith.constant 0 : i32
    %dma_wait3A_89 = arith.constant 0 : i32
    %dma_wait3A_90 = arith.constant 0 : i32
    %dma_wait3A_91 = tpu.memref_slice %arg6[%dma_wait3A_88, %dma_wait3A_89, %dma_wait3A_90] : memref<2x8x4096xf32, #tpu.memory_space<vmem>> -> memref<1x8x4096xf32, #tpu.memory_space<vmem>>
    %dma_wait3A_92 = tpu.memref_squeeze %dma_wait3A_91 : memref<1x8x4096xf32, #tpu.memory_space<vmem>> -> memref<8x4096xf32, #tpu.memory_space<vmem>>
    %dma_wait3A_93 = arith.constant 0 : i32
    %dma_wait3A_94 = tpu.memref_slice %arg4[%mul3A_2, %dma_wait3A_93] : memref<8192x4096xf32, #tpu.memory_space<hbm>> -> memref<8x4096xf32, #tpu.memory_space<hbm>>
    %dma_wait3A_95 = arith.constant 0 : i32
    %dma_wait3A_96 = tpu.memref_slice %arg4[%mul3A_2, %dma_wait3A_95] : memref<8192x4096xf32, #tpu.memory_space<hbm>> -> memref<8x4096xf32, #tpu.memory_space<hbm>>
    %dma_wait3A_97 = arith.constant 0 : i32
    %dma_wait3A_98 = arith.constant 0 : i32
    %dma_wait3A_99 = tpu.memref_slice %arg6[%dma_wait3A_88, %dma_wait3A_97, %dma_wait3A_98] : memref<2x8x4096xf32, #tpu.memory_space<vmem>> -> memref<1x8x4096xf32, #tpu.memory_space<vmem>>
    %dma_wait3A_100 = tpu.memref_squeeze %dma_wait3A_99 : memref<1x8x4096xf32, #tpu.memory_space<vmem>> -> memref<8x4096xf32, #tpu.memory_space<vmem>>
    tpu.wait_dma2 semaphore(%arg9 : memref<!tpu.dma_semaphore, #tpu.memory_space<semaphore_mem>>) src(%dma_wait3A_100 : memref<8x4096xf32, #tpu.memory_space<vmem>>) dst(%dma_wait3A_96 : memref<8x4096xf32, #tpu.memory_space<hbm>>)
    %dma_wait3A_101 = arith.constant 1 : i32
    %dma_wait3A_102 = arith.constant 0 : i32
    %dma_wait3A_103 = arith.constant 0 : i32
    %dma_wait3A_104 = tpu.memref_slice %arg6[%dma_wait3A_101, %dma_wait3A_102, %dma_wait3A_103] : memref<2x8x4096xf32, #tpu.memory_space<vmem>> -> memref<1x8x4096xf32, #tpu.memory_space<vmem>>
    %dma_wait3A_105 = tpu.memref_squeeze %dma_wait3A_104 : memref<1x8x4096xf32, #tpu.memory_space<vmem>> -> memref<8x4096xf32, #tpu.memory_space<vmem>>
    %dma_wait3A_106 = arith.constant 0 : i32
    %dma_wait3A_107 = tpu.memref_slice %arg4[%mul3A_2, %dma_wait3A_106] : memref<8192x4096xf32, #tpu.memory_space<hbm>> -> memref<8x4096xf32, #tpu.memory_space<hbm>>
    %dma_wait3A_108 = arith.constant 0 : i32
    %dma_wait3A_109 = tpu.memref_slice %arg4[%mul3A_2, %dma_wait3A_108] : memref<8192x4096xf32, #tpu.memory_space<hbm>> -> memref<8x4096xf32, #tpu.memory_space<hbm>>
    %dma_wait3A_110 = arith.constant 0 : i32
    %dma_wait3A_111 = arith.constant 0 : i32
    %dma_wait3A_112 = tpu.memref_slice %arg6[%dma_wait3A_101, %dma_wait3A_110, %dma_wait3A_111] : memref<2x8x4096xf32, #tpu.memory_space<vmem>> -> memref<1x8x4096xf32, #tpu.memory_space<vmem>>
    %dma_wait3A_113 = tpu.memref_squeeze %dma_wait3A_112 : memref<1x8x4096xf32, #tpu.memory_space<vmem>> -> memref<8x4096xf32, #tpu.memory_space<vmem>>
    tpu.wait_dma2 semaphore(%arg10 : memref<!tpu.dma_semaphore, #tpu.memory_space<semaphore_mem>>) src(%dma_wait3A_113 : memref<8x4096xf32, #tpu.memory_space<vmem>>) dst(%dma_wait3A_109 : memref<8x4096xf32, #tpu.memory_space<hbm>>)
    return
  }
}

</mosaic_0001>

<sc_bundles>
// kernel: kernel.3.cloned.1.call-start
scs
__scs_entry_jumppad:
0x0: {  	(pc) =	sbr.rel $0x88, $3  }
0x1: {  	(tag) =	ssettag $0x0;
	lr =	simm.s32 $0x1  }
0x2: {  	[smem:$0x3F9F] =	sst lr;
	_ =	strace $0xD0000000  }
0x3: {  	_ = 	snop  }
0x4: {  	_ = 	snop  }
0x5: {  	_ = 	snop  }
0x6: {  	_ = 	snop  }
0x7: {  	_ = 	snop  }
__scs_overlays_trampoline_lowered:
0x8: {  	[smem:$0x3FAE] =	sst s0  }
0x9: {  	[smem:$0x3FAF] =	sst s1  }
0xa: {  	[smem:$0x3FB0] =	sst s2  }
0xb: {  	[smem:$0x3FB1] =	sst s3  }
0xc: {  	[smem:$0x3FB2] =	sst s4  }
0xd: {  	[smem:$0x3FB3] =	sst s5  }
0xe: {  	[smem:$0x3FB4] =	sst s6  }
0xf: {  	[smem:$0x3FB5] =	sst s7  }
0x10: {  	[smem:$0x3FB6] =	sst s8  }
0x11: {  	[smem:$0x3FB7] =	sst s9;
	s0 =	simm.s32 @!p0 $0x0  }
0x12: {  	s1 =	sld [smem:$0x3F9D];
	s0 =	simm.s32 @p0 $0x1  }
0x13: {  	[smem:$0x3FB8] =	sst s0;
	s0 =	simm.s32 @!p1 $0x0  }
0x14: {  	s2 =	sld [smem:$0x3F9C];
	s0 =	simm.s32 @p1 $0x1  }
0x15: {  	[smem:$0x3FB9] =	sst s0;
	s0 =	simm.s32 @!p2 $0x0  }
0x16: {  	s3 =	sld [smem:$0x3FDB];
	s0 =	simm.s32 @p2 $0x1  }
0x17: {  	s4 =	simm.s32 $0x1BF5;
	[smem:$0x3FBB] =	sst s0  }
0x18: {  	s0 =	sld [smem:$0x3F9E];
	_ =	swait.ge [sflag:s4], $0x0  }
0x19: {  	s7 =	sld [smem:$0x3F9F]  }
0x1a: {  	s8 =	sadd.s32 $0xFFFFE003, lr  }
0x1b: {  	s9 =	sadd.s32 $0xFFFFFEF7, lr;
	s5 =	simm.s32 $0xFFFFFFFF;
	p2 =	slt.u32 s8, $0xFFFFF086  }
0x1c: {  	p1 =	slt.u32 s9, $0xF7A;
	s5 =	simm.s32 @!p2 $0x0  }
0x1d: {  	s5 =	simm.s32 @p1 $0x1;
	p0 =	seq.s32 s7, s2  }
0x1e: {  	s7 =	smul.u32 @!p0 $0xF7A, s2;
	p2 =	seq.s32 @!p0 s5, $0x0  }
0x1f: {  	s9 =	smul.u32 $0xF7A, s1;
	s8 =	simm.s32 @!p0 $0x1BF5;
	p2 =	por !p2, p0  }
0x20: {  	[sflag:s8] =	ssyncset.s32 @!p0 $0xFFFFF086;
	s6 =	sadd.s32 @!p0 s3, s7;
	s7 =	simm.s32 @!p0 $0x108  }
0x21: {  	s3 =	sadd.s32 s3, s9;
	s6 =	sadd.s32 @!p0 $0x88, s6;
	s7 =	simm.s32 @p2 $0x1082  }
0x22: {  	[simem:s7], [sflag:s8] =	dma.local @!p0 [hbm:s6], $0xF7A  }
0x23: {  	s9 =	sor.u32 $0xD0000000, s2;
	s6 =	simm.s32 $0x108;
	_ =	swait.ge @!p0 [sflag:s8], $0x0  }
0x24: {  	s3 =	sadd.s32 $0x88, s3;
	s6 =	simm.s32 @!p1 $0x1082;
	[sflag:s4] =	ssyncset.s32 $0xFFFFF086  }
0x25: {  	[simem:s6], [sflag:s4] =	dma.local [hbm:s3], $0xF7A  }
0x26: {  	[smem:$0x3F9F] =	sst s1;
	(tag) =	ssettag s2;
	_ =	strace s9  }
0x27: {  	s1 =	sld [smem:$0x3FAF]  }
0x28: {  	s2 =	sld [smem:$0x3FB0]  }
0x29: {  	s4 =	sld [smem:$0x3FB2]  }
0x2a: {  	p0 =	seq.s32 s5, $0x0;
	s5 =	sld [smem:$0x3FB3]  }
0x2b: {  	s6 =	sld [smem:$0x3FB4]  }
0x2c: {  	s7 =	sld [smem:$0x3FB5]  }
0x2d: {  	s3 =	simm.s32 $0x108;
	s8 =	sld [smem:$0x3FB6]  }
0x2e: {  	s3 =	simm.s32 @!p0 $0x1082;
	s9 =	sld [smem:$0x3FB7]  }
0x2f: {  	lr =	sadd.s32 s0, s3;
	s0 =	sld [smem:$0x3FAE]  }
0x30: {  	s3 =	sld [smem:$0x3FB1]  }
0x31: {  	[smem:$0x3FBA] =	sst s10  }
0x32: {  	s10 =	sld [smem:$0x3FB8];
	_ =	sdelay $0x3  }
0x33: {  	p0 =	seq.s32 s10, $0x1;
	s10 =	sld [smem:$0x3FBA];
	_ =	sdelay $0x3  }
0x34: {  	[smem:$0x3FBA] =	sst s10  }
0x35: {  	s10 =	sld [smem:$0x3FB9];
	_ =	sdelay $0x3  }
0x36: {  	p1 =	seq.s32 s10, $0x1;
	s10 =	sld [smem:$0x3FBA];
	_ =	sdelay $0x3  }
0x37: {  	[smem:$0x3FBA] =	sst s10  }
0x38: {  	s10 =	sld [smem:$0x3FBB]  }
0x39: {  	_ = 	snop;
	(pc) =	sbr.ind lr, $3  }
0x3a: {  	_ = 	snop  }
0x3b: {  	_ = 	snop  }
0x3c: {  	p2 =	seq.s32 s10, $0x1;
	s10 =	sld [smem:$0x3FBA]  }
0x3d: {  	_ =	shalt  }
0x3e: {  	_ =	shalt  }
0x3f: {  	_ =	shalt  }
0x40: {  	_ =	shalt  }
0x41: {  	_ =	shalt  }
0x42: {  	_ =	shalt  }
0x43: {  	_ =	shalt  }
0x44: {  	_ =	shalt  }
0x45: {  	_ =	shalt  }
0x46: {  	_ =	shalt  }
0x47: {  	_ =	shalt  }
0x48: {  	_ =	shalt  }
0x49: {  	_ =	shalt  }
0x4a: {  	_ =	shalt  }
0x4b: {  	_ =	shalt  }
0x4c: {  	_ =	shalt  }
0x4d: {  	_ =	shalt  }
0x4e: {  	_ =	shalt  }
0x4f: {  	_ =	shalt  }
0x50: {  	_ =	shalt  }
0x51: {  	_ =	shalt  }
0x52: {  	_ =	shalt  }
0x53: {  	_ =	shalt  }
0x54: {  	_ =	shalt  }
0x55: {  	_ =	shalt  }
0x56: {  	_ =	shalt  }
0x57: {  	_ =	shalt  }
0x58: {  	_ =	shalt  }
0x59: {  	_ =	shalt  }
0x5a: {  	_ =	shalt  }
0x5b: {  	_ =	shalt  }
0x5c: {  	_ =	shalt  }
0x5d: {  	_ =	shalt  }
0x5e: {  	_ =	shalt  }
0x5f: {  	_ =	shalt  }
0x60: {  	_ =	shalt  }
0x61: {  	_ =	shalt  }
0x62: {  	_ =	shalt  }
0x63: {  	_ =	shalt  }
0x64: {  	_ =	shalt  }
0x65: {  	_ =	shalt  }
0x66: {  	_ =	shalt  }
0x67: {  	_ =	shalt  }
0x68: {  	_ =	shalt  }
0x69: {  	_ =	shalt  }
0x6a: {  	_ =	shalt  }
0x6b: {  	_ =	shalt  }
0x6c: {  	_ =	shalt  }
0x6d: {  	_ =	shalt  }
0x6e: {  	_ =	shalt  }
0x6f: {  	_ =	shalt  }
0x70: {  	_ =	shalt  }
0x71: {  	_ =	shalt  }
0x72: {  	_ =	shalt  }
0x73: {  	_ =	shalt  }
0x74: {  	_ =	shalt  }
0x75: {  	_ =	shalt  }
0x76: {  	_ =	shalt  }
0x77: {  	_ =	shalt  }
0x78: {  	_ =	shalt  }
0x79: {  	_ =	shalt  }
0x7a: {  	_ =	shalt  }
0x7b: {  	_ =	shalt  }
0x7c: {  	_ =	shalt  }
0x7d: {  	_ =	shalt  }
0x7e: {  	_ =	shalt  }
0x7f: {  	_ =	shalt  }
0x80: {  	_ =	shalt  }
0x81: {  	_ =	shalt  }
0x82: {  	_ =	shalt  }
0x83: {  	_ =	shalt  }
0x84: {  	_ =	shalt  }
0x85: {  	_ =	shalt  }
0x86: {  	_ =	shalt  }
0x87: {  	_ =	shalt  }
.Lfunc_end0:
.L_simem_size_0:
called_computation_lowered:
.L_overlay_start_0:
0x88: {  	s2 =	sld [smem:$0x3FD9]  }
0x89: {  	s3 =	sld [smem:$0x3FFE];
	_ =	sdelay $0x1  }
0x8a: {  	s1 =	srdreg.scid  }
0x8b: {  	s0 =	sand.u32 $0x1, s1  }
0x8c: {  	s17 =	sshll.u32 s0, $0xA;
	s2 =	sadd.s32 s3, s2  }
0x8d: {  	s2 =	sadd.s32 s2, s17  }
0x8e: {  	[smem:$0x3FC6] =	sst s2  }
0x8f: {  	_ = 	snop  }
0x90: {  	s2 =	sld [smem:$0x3FC8]  }
0x91: {  	s18 =	sld [smem:$0x3FD0];
	(tm) =	ssettm $0x1  }
0x92: {  	s4 =	sld [smem:$0x3FFB];
	_ =	sdelay $0x3  }
0x93: {  	_ =	strace s4  }
0x94: {  	s4 =	sld [smem:$0x3FFC];
	_ =	sdelay $0x3  }
0x95: {  	_ =	strace s4  }
0x96: {  	s4 =	sld [smem:$0x3FFD];
	_ =	sdelay $0x3  }
0x97: {  	_ =	strace s4  }
0x98: {  	_ =	strace $0x8FFFFFFF  }
0x99: {  	s19 =	sld [smem:$0x3FDB];
	_ =	sdelay $0x1  }
0x9a: {  	s5 =	simm.s32 $_scs_section_size  }
0x9b: {  	s6 =	simm.s32 $_size__tile_overlayer_lowered;
	s7 =	simm.s32 $_tile_overlayer_lowered  }
0x9c: {  	s22 =	simm.s32 $0x1BFF;
	s21 =	sshll.u32 s7, $0x1;
	s4 =	sadd.s32 s5, s19  }
0x9d: {  	s8 =	simm.s32 $0x0;
	s20 =	sshll.u32 s6, $0x1;
	s6 =	sadd.s32 s21, s4  }
0x9e: {  	[timem:s8], [sflag:s22] =	dma.local [hbm:s6], s20  }
0x9f: {  	_ =	swait.ge [sflag:s22], s20  }
0xa0: {  	s5 =	ssub.s32 $0x0, s20;
	[sflag:s22] =	ssyncset.done $0x0  }
0xa1: {  	[sflag:s22] =	ssyncadd.s32 s5;
	_ =	sdelay $0x1  }
0xa2: {  	s23 =	simm.s32 $0x1B8B  }
0xa3: {  	_ =	swait.ge [sflag:s23], $0x1  }
0xa4: {  	[sflag:s23] =	ssyncset.done $0x0  }
0xa5: {  	s25 =	simm.s32 $0x1B8E;
	s24 =	sld [smem:$0x3FFE];
	[sflag:s23] =	ssyncadd.s32 $0xFFFFFFFF  }
0xa6: {  	s26 =	simm.s32 $execute0_lowered;
	[smem:$0x3FD2] =	sst s25  }
0xa7: {  	s6 =	sshll.u32 s26, $0x1;
	_ =	strace $0x80000046;
	[dreg:$0x1] =	wrdreg $0xFFFFFFFF  }
0xa8: {  	s28 =	simm.s32 $_size_execute0_lowered;
	s4 =	sadd.s32 s4, s6;
	[dreg:$0x0] =	wrdreg $0x0  }
0xa9: {  	s6 =	sshll.u32 s28, $0x1;
	[dreg:$0x2] =	wrdreg s4  }
0xaa: {  	[dreg:$0x3] =	wrdreg s6  }
0xab: {  	[dreg:$0x4] =	wrdreg $0xC0  }
0xac: {  	_ =	task [dreg:s8], $0x5FFFF  }
0xad: {  	[dreg:$0x1] =	wrdreg $0xFFFFFFFF  }
0xae: {  	[dreg:$0x0] =	wrdreg $0x60  }
0xaf: {  	[dreg:$0x2] =	wrdreg s24  }
0xb0: {  	[dreg:$0x3] =	wrdreg s2  }
0xb1: {  	[dreg:$0x4] =	wrdreg s18  }
0xb2: {  	[dreg:$0x5] =	wrdreg $0x9  }
0xb3: {  	_ =	task.clear_ibuf [dreg:s8], $0x6FFFF;
	_ =	strace $0x90000046  }
0xb4: {  	s29 =	simm.s32 $0x9;
	_ =	strace $0x80000048  }
0xb5: {  	_ =	swait.ge [sflag:s29], $0x1  }
0xb6: {  	[sflag:s29] =	ssyncadd.s32 $0xFFFFFFFF  }
0xb7: {  	_ =	strace $0x90000048  }
0xb8: {  	_ =	sfence  }
0xb9: {  	s30 =	sld [smem:$0x0];
	_ =	sdelay $0x2  }
0xba: {  	s31 =	sshll.u32 s1, $0xD;
	s1 =	sshrl.u32 s1, $0x2  }
0xbb: {  	s3 =	sand.u32 $0x4000, s31;
	s1 =	sadd.s32 s1, s30  }
0xbc: {  	s0 =	sor.u32 s3, s0;
	s1 =	sshll.u32 s1, $0x11  }
0xbd: {  	s0 =	sor.u32 s1, s0  }
0xbe: {  	s0 =	sadd.s32 $0x8F2B, s0  }
0xbf: {  	[sflag:s0] =	ssyncadd.remote.s32 $0x1  }
0xc0: {  	_ =	sfence.sel $0xFFFF  }
0xc1: {  	[dreg:$0x0] =	wrdreg $0xFFFFFFFF;
	(pc) =	sbr.abs _section_cstart, $3  }
0xc2: {  	[dreg:$0x1] =	wrdreg $0xFFFFFFFF  }
0xc3: {  	_ =	task.clear_ibuf [dreg:s8], $0x2FFFF;
	_ =	strace $0x9FFFFFFF  }
0xc4: {  	(tm) =	ssettm $0x7FFFFFFF  }
0xc5: {  	_ =	shalt  }
tec
execute0_lowered:
.L_overlay_start_1:
0x0: {  	(tag) =	ssettag $0x1  }
0x1: {  	s0 =	rddreg [dreg:$0x0]  }
0x2: {  	s30 =	rddreg [dreg:$0x1];
	s1 =	srdreg.scid  }
0x3: {  	s4 =	rddreg [dreg:$0x2];
	s21 =	stileid.u32  }
0x4: {  	s3 =	simm.s32 $0x0;
	s29 =	simm.s32 $0x100;
	s23 =	simm.s32 $0x1100  }
0x5: {  	s28 =	simm.s32 $0x2100;
	s2 =	simm.s32 $0x3100;
	s31 =	simm.s32 $0x4100  }
0x6: {  	s1 =	sand.u32 $0x1, s1;
	s5 =	sshll.u32 s21, $0x9;
	[smem:$0x7FF] =	sst s3  }
0x7: {  	s8 =	sadd.s32 $0x400, s30;
	s9 =	sadd.s32 $0x500, s30;
	s10 =	sadd.s32 $0x600, s30  }
0x8: {  	s11 =	sadd.s32 $0x700, s30;
	s12 =	sadd.s32 $0x800, s30;
	s13 =	sadd.s32 $0x900, s30  }
0x9: {  	s14 =	sadd.s32 $0xA00, s30;
	s15 =	sadd.s32 $0xB00, s30;
	s16 =	sadd.s32 $0xC00, s30  }
0xa: {  	s17 =	sadd.s32 $0xD00, s30;
	s19 =	sadd.s32 $0xF00, s30;
	s26 =	sshll.u32 s21, $0x12  }
0xb: {  	s21 =	simm.s32 $0x4;
	s6 =	sshll.u32 s1, $0x8;
	s24 =	ssub.s32 $0x2, s1  }
0xc: {  	_ =	strace $0x80000047;
	s1 =	sshll.u32 s1, $0x11;
	s18 =	sor.u32 s6, s5  }
0xd: {  	s7 =	sshrl.u32 s24, $0x1;
	s5 =	sadd.s32 $0x100, s30;
	s6 =	sshrl.u32 s18, $0x3  }
0xe: {  	s20 =	ssub.s32 s24, s7;
	s7 =	sadd.s32 $0x300, s30;
	s0 =	sadd.s32 s6, s0  }
0xf: {  	s25 =	sshll.u32 s18, $0x9;
	s18 =	sadd.s32 $0xE00, s30;
	s0 =	sadd.s32 $0x400, s0  }
0x10: {  	s20 =	smax.u32 s20, $0x1;
	[dreg:$0x4] =	wrdreg s0;
	s0 =	sadd.s32 s25, s4  }
0x11: {  	s24 =	simm.s32 $0x8100;
	[dreg:$0x7] =	wrdreg s20;
	s22 =	sadd.s32 $0x1E000, s0  }
0x12: {  	s6 =	sadd.s32 $0x200, s30;
	s0 =	sadd.s32 $0x1F000, s0;
	[dreg:$0x5] =	wrdreg s22  }
0x13: {  	s20 =	simm.s32 $0x3;
	s25 =	simm.s32 $0x3900;
	[dreg:$0x6] =	wrdreg s0  }
0x14: {  	v0 =	vlaneseq.u32;
	s0 =	sadd.s32 s26, s4;
	s26 =	simm.s32 $0x1900;
	s22 =	simm.s32 $0x0  }
0x15: {  	v1 =	vshrl.u32 v0, $0x3;
	s4 =	simm.s32 $0x2;
	s0 =	sadd.s32 s1, s0;
	[dreg:$0x9] =	wrdreg s22  }
0x16: {  	vm0 =	vmmov $0xffff;
	v0 =	vand.u32 $0x7, v0;
	v1 =	vmul.u32 $0x8, v1;
	s1 =	simm.s32 $0x1;
	[dreg:$0x8] =	wrdreg s0;
	s0 =	simm.s32 $0x2900  }
.LBB2_1:
0x17: {  	s22 =	rddreg [dreg:$0x4]  }
0x18: {  	[tilespmem:s3], [sflag:$0x5] =	stream.linear.gather [hbm4b:s22+s3], $0x100, $0x38;
	[tilespmem:$0x10100] =	vst v63  }
0x19: {  	s22 =	simm.s32 $0x5  }
0x1a: {  	_ =	swait.ge [sflag:s22], $0x100  }
0x1b: {  	[sflag:s22] =	ssyncset.done $0x0  }
0x1c: {  	[sflag:s22] =	ssyncadd.s32 $0xFFFFFF00  }
0x1d: {  	v2 =	vld.msk [tilespmem:$0x0], $0xff;
	_ =	sdelay $0x4  }
0x1e: {  	v3 =	vshll.u32 v2, $0x5  }
0x1f: {  	v2 =	vand.u32 $0x7, v2;
	v3 =	vand.u32 $0xFFFFFF00, v3  }
0x20: {  	v2 =	vor.u32 v2, v3  }
0x21: {  	v2 =	vperm.xlane v2, v0;
	_ =	sdelay $0x1  }
0x22: {  	v2 =	vadd.s32 v1, v2;
	_ =	sdelay $0x4  }
0x23: {  	[tilespmem:s29], [sflag:$0x1] =	stream.indirect_vreg.gather [hbm4b:s30+s3], $0x80, v2, vm0, $0xb8;
	[tilespmem:$0x10100] =	vst v63  }
0x24: {  	s29 =	simm.s32 $0x900  }
0x25: {  	[tilespmem:s29], [sflag:$0x1] =	stream.indirect_vreg.gather [hbm4b:s5+s3], $0x80, v2, vm0, $0xb8;
	[tilespmem:$0x10100] =	vst v63  }
0x26: {  	_ = 	snop  }
0x27: {  	[tilespmem:s23], [sflag:$0x1] =	stream.indirect_vreg.gather [hbm4b:s6+s3], $0x80, v2, vm0, $0xb8;
	[tilespmem:$0x10100] =	vst v63  }
0x28: {  	_ = 	snop  }
0x29: {  	[tilespmem:s26], [sflag:$0x1] =	stream.indirect_vreg.gather [hbm4b:s7+s3], $0x80, v2, vm0, $0xb8;
	[tilespmem:$0x10100] =	vst v63  }
0x2a: {  	_ = 	snop  }
0x2b: {  	[tilespmem:s28], [sflag:$0x1] =	stream.indirect_vreg.gather [hbm4b:s8+s3], $0x80, v2, vm0, $0xb8;
	[tilespmem:$0x10100] =	vst v63  }
0x2c: {  	_ = 	snop  }
0x2d: {  	[tilespmem:s0], [sflag:$0x1] =	stream.indirect_vreg.gather [hbm4b:s9+s3], $0x80, v2, vm0, $0xb8;
	[tilespmem:$0x10100] =	vst v63  }
0x2e: {  	_ = 	snop  }
0x2f: {  	[tilespmem:s2], [sflag:$0x1] =	stream.indirect_vreg.gather [hbm4b:s10+s3], $0x80, v2, vm0, $0xb8;
	[tilespmem:$0x10100] =	vst v63  }
0x30: {  	_ = 	snop  }
0x31: {  	[tilespmem:s25], [sflag:$0x1] =	stream.indirect_vreg.gather [hbm4b:s11+s3], $0x80, v2, vm0, $0xb8;
	[tilespmem:$0x10100] =	vst v63  }
0x32: {  	_ = 	snop  }
0x33: {  	[tilespmem:s31], [sflag:$0x1] =	stream.indirect_vreg.gather [hbm4b:s12+s3], $0x80, v2, vm0, $0xb8;
	[tilespmem:$0x10100] =	vst v63  }
0x34: {  	s23 =	simm.s32 $0x4900  }
0x35: {  	[tilespmem:s23], [sflag:$0x1] =	stream.indirect_vreg.gather [hbm4b:s13+s3], $0x80, v2, vm0, $0xb8;
	[tilespmem:$0x10100] =	vst v63  }
0x36: {  	s25 =	simm.s32 $0x5100  }
0x37: {  	[tilespmem:s25], [sflag:$0x1] =	stream.indirect_vreg.gather [hbm4b:s14+s3], $0x80, v2, vm0, $0xb8;
	[tilespmem:$0x10100] =	vst v63  }
0x38: {  	s26 =	simm.s32 $0x5900  }
0x39: {  	[tilespmem:s26], [sflag:$0x1] =	stream.indirect_vreg.gather [hbm4b:s15+s3], $0x80, v2, vm0, $0xb8;
	[tilespmem:$0x10100] =	vst v63  }
0x3a: {  	s29 =	simm.s32 $0x6100  }
0x3b: {  	[tilespmem:s29], [sflag:$0x1] =	stream.indirect_vreg.gather [hbm4b:s16+s3], $0x80, v2, vm0, $0xb8;
	[tilespmem:$0x10100] =	vst v63  }
0x3c: {  	s31 =	simm.s32 $0x6900  }
0x3d: {  	[tilespmem:s31], [sflag:$0x1] =	stream.indirect_vreg.gather [hbm4b:s17+s3], $0x80, v2, vm0, $0xb8;
	[tilespmem:$0x10100] =	vst v63  }
0x3e: {  	s2 =	simm.s32 $0x7100  }
0x3f: {  	[tilespmem:s2], [sflag:$0x1] =	stream.indirect_vreg.gather [hbm4b:s18+s3], $0x80, v2, vm0, $0xb8;
	[tilespmem:$0x10100] =	vst v63  }
0x40: {  	s22 =	simm.s32 $0x7900  }
0x41: {  	[tilespmem:s22], [sflag:$0x1] =	stream.indirect_vreg.gather [hbm4b:s19+s3], $0x80, v2, vm0, $0xb8;
	[tilespmem:$0x10100] =	vst v63  }
0x42: {  	v2 =	vld.msk [tilespmem:$0x8], $0xff;
	_ =	sdelay $0x4  }
0x43: {  	v3 =	vshll.u32 v2, $0x5  }
0x44: {  	v2 =	vand.u32 $0x7, v2;
	v3 =	vand.u32 $0xFFFFFF00, v3  }
0x45: {  	v2 =	vor.u32 v2, v3  }
0x46: {  	v2 =	vperm.xlane v2, v0;
	_ =	sdelay $0x1  }
0x47: {  	v2 =	vadd.s32 v1, v2;
	_ =	sdelay $0x4  }
0x48: {  	[tilespmem:s24], [sflag:$0x2] =	stream.indirect_vreg.gather [hbm4b:s30+s3], $0x80, v2, vm0, $0xb8;
	[tilespmem:$0x10100] =	vst v63  }
0x49: {  	s23 =	simm.s32 $0x8900  }
0x4a: {  	[tilespmem:s23], [sflag:$0x2] =	stream.indirect_vreg.gather [hbm4b:s5+s3], $0x80, v2, vm0, $0xb8;
	[tilespmem:$0x10100] =	vst v63  }
0x4b: {  	s24 =	simm.s32 $0x9100  }
0x4c: {  	[tilespmem:s24], [sflag:$0x2] =	stream.indirect_vreg.gather [hbm4b:s6+s3], $0x80, v2, vm0, $0xb8;
	[tilespmem:$0x10100] =	vst v63  }
0x4d: {  	s25 =	simm.s32 $0x9900  }
0x4e: {  	[tilespmem:s25], [sflag:$0x2] =	stream.indirect_vreg.gather [hbm4b:s7+s3], $0x80, v2, vm0, $0xb8;
	[tilespmem:$0x10100] =	vst v63  }
0x4f: {  	s26 =	simm.s32 $0xA100  }
0x50: {  	[tilespmem:s26], [sflag:$0x2] =	stream.indirect_vreg.gather [hbm4b:s8+s3], $0x80, v2, vm0, $0xb8;
	[tilespmem:$0x10100] =	vst v63  }
0x51: {  	s29 =	simm.s32 $0xA900  }
0x52: {  	[tilespmem:s29], [sflag:$0x2] =	stream.indirect_vreg.gather [hbm4b:s9+s3], $0x80, v2, vm0, $0xb8;
	[tilespmem:$0x10100] =	vst v63  }
0x53: {  	s31 =	simm.s32 $0xB100  }
0x54: {  	[tilespmem:s31], [sflag:$0x2] =	stream.indirect_vreg.gather [hbm4b:s10+s3], $0x80, v2, vm0, $0xb8;
	[tilespmem:$0x10100] =	vst v63  }
0x55: {  	s2 =	simm.s32 $0xB900  }
0x56: {  	[tilespmem:s2], [sflag:$0x2] =	stream.indirect_vreg.gather [hbm4b:s11+s3], $0x80, v2, vm0, $0xb8;
	[tilespmem:$0x10100] =	vst v63  }
0x57: {  	s22 =	simm.s32 $0xC100  }
0x58: {  	[tilespmem:s22], [sflag:$0x2] =	stream.indirect_vreg.gather [hbm4b:s12+s3], $0x80, v2, vm0, $0xb8;
	[tilespmem:$0x10100] =	vst v63  }
0x59: {  	s23 =	simm.s32 $0xC900  }
0x5a: {  	[tilespmem:s23], [sflag:$0x2] =	stream.indirect_vreg.gather [hbm4b:s13+s3], $0x80, v2, vm0, $0xb8;
	[tilespmem:$0x10100] =	vst v63  }
0x5b: {  	s24 =	simm.s32 $0xD100  }
0x5c: {  	[tilespmem:s24], [sflag:$0x2] =	stream.indirect_vreg.gather [hbm4b:s14+s3], $0x80, v2, vm0, $0xb8;
	[tilespmem:$0x10100] =	vst v63  }
0x5d: {  	s25 =	simm.s32 $0xD900  }
0x5e: {  	[tilespmem:s25], [sflag:$0x2] =	stream.indirect_vreg.gather [hbm4b:s15+s3], $0x80, v2, vm0, $0xb8;
	[tilespmem:$0x10100] =	vst v63  }
0x5f: {  	s26 =	simm.s32 $0xE100  }
0x60: {  	[tilespmem:s26], [sflag:$0x2] =	stream.indirect_vreg.gather [hbm4b:s16+s3], $0x80, v2, vm0, $0xb8;
	[tilespmem:$0x10100] =	vst v63  }
0x61: {  	s29 =	simm.s32 $0xE900  }
0x62: {  	[tilespmem:s29], [sflag:$0x2] =	stream.indirect_vreg.gather [hbm4b:s17+s3], $0x80, v2, vm0, $0xb8;
	[tilespmem:$0x10100] =	vst v63  }
0x63: {  	s28 =	simm.s32 $0x1100;
	s0 =	simm.s32 $0x4100;
	s31 =	simm.s32 $0xF100  }
0x64: {  	[tilespmem:s31], [sflag:$0x2] =	stream.indirect_vreg.gather [hbm4b:s18+s3], $0x80, v2, vm0, $0xb8;
	[tilespmem:$0x10100] =	vst v63  }
0x65: {  	s2 =	simm.s32 $0xF900;
	s22 =	rddreg [dreg:$0x8];
	s23 =	simm.s32 $0x0  }
0x66: {  	[tilespmem:s2], [sflag:$0x2] =	stream.indirect_vreg.gather [hbm4b:s19+s3], $0x80, v2, vm0, $0xb8;
	[tilespmem:$0x10100] =	vst v63  }
.LBB2_2:
0x67: {  	_ =	swait.ge [sflag:s1], $0x8000  }
0x68: {  	[sflag:s1] =	ssyncset.done $0x0  }
0x69: {  	s25 =	simm.s32 $0x100;
	[sflag:s1] =	ssyncadd.s32 $0xFFFF8000  }
0x6a: {  	[hbm4b:s22+s3] =	stream.linear.scatter [tilespmem:s25], [sflag:$0x3], $0x8000, $0x38;
	[tilespmem:$0x10100] =	vst v63  }
0x6b: {  	_ =	swait.ge [sflag:s4], $0x8000  }
0x6c: {  	[sflag:s4] =	ssyncset.done $0x0  }
0x6d: {  	s24 =	sadd.s32 $0x1000, s22;
	s26 =	simm.s32 $0x8100;
	[sflag:s4] =	ssyncadd.s32 $0xFFFF8000  }
0x6e: {  	[hbm4b:s24+s3] =	stream.linear.scatter [tilespmem:s26], [sflag:$0x4], $0x8000, $0x38;
	[tilespmem:$0x10100] =	vst v63  }
0x6f: {  	_ =	swait.ge [sflag:s20], $0x8000  }
0x70: {  	[sflag:s20] =	ssyncset.done $0x0  }
0x71: {  	s24 =	sshra.s32 s23, $0x2;
	[sflag:s20] =	ssyncadd.s32 $0xFFFF8000  }
0x72: {  	v2 =	vld.msk [tilespmem:s24+$0x10], $0xff;
	_ =	sdelay $0x4  }
0x73: {  	v3 =	vshll.u32 v2, $0x5  }
0x74: {  	v2 =	vand.u32 $0x7, v2;
	v3 =	vand.u32 $0xFFFFFF00, v3  }
0x75: {  	v2 =	vor.u32 v2, v3  }
0x76: {  	v2 =	vperm.xlane v2, v0;
	_ =	sdelay $0x1  }
0x77: {  	v2 =	vadd.s32 v1, v2;
	_ =	sdelay $0x4  }
0x78: {  	[tilespmem:s25], [sflag:$0x1] =	stream.indirect_vreg.gather [hbm4b:s30+s3], $0x80, v2, vm0, $0xb8;
	[tilespmem:$0x10100] =	vst v63  }
0x79: {  	s31 =	simm.s32 $0x900  }
0x7a: {  	[tilespmem:s31], [sflag:$0x1] =	stream.indirect_vreg.gather [hbm4b:s5+s3], $0x80, v2, vm0, $0xb8;
	[tilespmem:$0x10100] =	vst v63  }
0x7b: {  	_ = 	snop  }
0x7c: {  	[tilespmem:s28], [sflag:$0x1] =	stream.indirect_vreg.gather [hbm4b:s6+s3], $0x80, v2, vm0, $0xb8;
	[tilespmem:$0x10100] =	vst v63  }
0x7d: {  	s31 =	simm.s32 $0x1900  }
0x7e: {  	[tilespmem:s31], [sflag:$0x1] =	stream.indirect_vreg.gather [hbm4b:s7+s3], $0x80, v2, vm0, $0xb8;
	[tilespmem:$0x10100] =	vst v63  }
0x7f: {  	s31 =	simm.s32 $0x2100  }
0x80: {  	[tilespmem:s31], [sflag:$0x1] =	stream.indirect_vreg.gather [hbm4b:s8+s3], $0x80, v2, vm0, $0xb8;
	[tilespmem:$0x10100] =	vst v63  }
0x81: {  	s31 =	simm.s32 $0x2900  }
0x82: {  	[tilespmem:s31], [sflag:$0x1] =	stream.indirect_vreg.gather [hbm4b:s9+s3], $0x80, v2, vm0, $0xb8;
	[tilespmem:$0x10100] =	vst v63  }
0x83: {  	s31 =	simm.s32 $0x3100  }
0x84: {  	[tilespmem:s31], [sflag:$0x1] =	stream.indirect_vreg.gather [hbm4b:s10+s3], $0x80, v2, vm0, $0xb8;
	[tilespmem:$0x10100] =	vst v63  }
0x85: {  	s25 =	simm.s32 $0x3900  }
0x86: {  	[tilespmem:s25], [sflag:$0x1] =	stream.indirect_vreg.gather [hbm4b:s11+s3], $0x80, v2, vm0, $0xb8;
	[tilespmem:$0x10100] =	vst v63  }
0x87: {  	_ = 	snop  }
0x88: {  	[tilespmem:s0], [sflag:$0x1] =	stream.indirect_vreg.gather [hbm4b:s12+s3], $0x80, v2, vm0, $0xb8;
	[tilespmem:$0x10100] =	vst v63  }
0x89: {  	s31 =	simm.s32 $0x4900  }
0x8a: {  	[tilespmem:s31], [sflag:$0x1] =	stream.indirect_vreg.gather [hbm4b:s13+s3], $0x80, v2, vm0, $0xb8;
	[tilespmem:$0x10100] =	vst v63  }
0x8b: {  	s31 =	simm.s32 $0x5100  }
0x8c: {  	[tilespmem:s31], [sflag:$0x1] =	stream.indirect_vreg.gather [hbm4b:s14+s3], $0x80, v2, vm0, $0xb8;
	[tilespmem:$0x10100] =	vst v63  }
0x8d: {  	s31 =	simm.s32 $0x5900  }
0x8e: {  	[tilespmem:s31], [sflag:$0x1] =	stream.indirect_vreg.gather [hbm4b:s15+s3], $0x80, v2, vm0, $0xb8;
	[tilespmem:$0x10100] =	vst v63  }
0x8f: {  	s31 =	simm.s32 $0x6100  }
0x90: {  	[tilespmem:s31], [sflag:$0x1] =	stream.indirect_vreg.gather [hbm4b:s16+s3], $0x80, v2, vm0, $0xb8;
	[tilespmem:$0x10100] =	vst v63  }
0x91: {  	s31 =	simm.s32 $0x6900  }
0x92: {  	[tilespmem:s31], [sflag:$0x1] =	stream.indirect_vreg.gather [hbm4b:s17+s3], $0x80, v2, vm0, $0xb8;
	[tilespmem:$0x10100] =	vst v63  }
0x93: {  	s31 =	simm.s32 $0x7100  }
0x94: {  	[tilespmem:s31], [sflag:$0x1] =	stream.indirect_vreg.gather [hbm4b:s18+s3], $0x80, v2, vm0, $0xb8;
	[tilespmem:$0x10100] =	vst v63  }
0x95: {  	s31 =	simm.s32 $0x7900  }
0x96: {  	[tilespmem:s31], [sflag:$0x1] =	stream.indirect_vreg.gather [hbm4b:s19+s3], $0x80, v2, vm0, $0xb8;
	[tilespmem:$0x10100] =	vst v63  }
0x97: {  	_ =	swait.ge [sflag:s21], $0x8000  }
0x98: {  	[sflag:s21] =	ssyncset.done $0x0  }
0x99: {  	[sflag:s21] =	ssyncadd.s32 $0xFFFF8000  }
0x9a: {  	v2 =	vld.msk [tilespmem:s24+$0x18], $0xff;
	_ =	sdelay $0x4  }
0x9b: {  	v3 =	vshll.u32 v2, $0x5  }
0x9c: {  	v2 =	vand.u32 $0x7, v2;
	v3 =	vand.u32 $0xFFFFFF00, v3  }
0x9d: {  	v2 =	vor.u32 v2, v3  }
0x9e: {  	v2 =	vperm.xlane v2, v0;
	_ =	sdelay $0x1  }
0x9f: {  	v2 =	vadd.s32 v1, v2;
	_ =	sdelay $0x4  }
0xa0: {  	[tilespmem:s26], [sflag:$0x2] =	stream.indirect_vreg.gather [hbm4b:s30+s3], $0x80, v2, vm0, $0xb8;
	[tilespmem:$0x10100] =	vst v63  }
0xa1: {  	s31 =	simm.s32 $0x8900  }
0xa2: {  	[tilespmem:s31], [sflag:$0x2] =	stream.indirect_vreg.gather [hbm4b:s5+s3], $0x80, v2, vm0, $0xb8;
	[tilespmem:$0x10100] =	vst v63  }
0xa3: {  	s31 =	simm.s32 $0x9100  }
0xa4: {  	[tilespmem:s31], [sflag:$0x2] =	stream.indirect_vreg.gather [hbm4b:s6+s3], $0x80, v2, vm0, $0xb8;
	[tilespmem:$0x10100] =	vst v63  }
0xa5: {  	s31 =	simm.s32 $0x9900  }
0xa6: {  	[tilespmem:s31], [sflag:$0x2] =	stream.indirect_vreg.gather [hbm4b:s7+s3], $0x80, v2, vm0, $0xb8;
	[tilespmem:$0x10100] =	vst v63  }
0xa7: {  	s31 =	simm.s32 $0xA100  }
0xa8: {  	[tilespmem:s31], [sflag:$0x2] =	stream.indirect_vreg.gather [hbm4b:s8+s3], $0x80, v2, vm0, $0xb8;
	[tilespmem:$0x10100] =	vst v63  }
0xa9: {  	s31 =	simm.s32 $0xA900  }
0xaa: {  	[tilespmem:s31], [sflag:$0x2] =	stream.indirect_vreg.gather [hbm4b:s9+s3], $0x80, v2, vm0, $0xb8;
	[tilespmem:$0x10100] =	vst v63  }
0xab: {  	s31 =	simm.s32 $0xB100  }
0xac: {  	[tilespmem:s31], [sflag:$0x2] =	stream.indirect_vreg.gather [hbm4b:s10+s3], $0x80, v2, vm0, $0xb8;
	[tilespmem:$0x10100] =	vst v63  }
0xad: {  	s31 =	simm.s32 $0xB900  }
0xae: {  	[tilespmem:s31], [sflag:$0x2] =	stream.indirect_vreg.gather [hbm4b:s11+s3], $0x80, v2, vm0, $0xb8;
	[tilespmem:$0x10100] =	vst v63  }
0xaf: {  	s31 =	simm.s32 $0xC100  }
0xb0: {  	[tilespmem:s31], [sflag:$0x2] =	stream.indirect_vreg.gather [hbm4b:s12+s3], $0x80, v2, vm0, $0xb8;
	[tilespmem:$0x10100] =	vst v63  }
0xb1: {  	s31 =	simm.s32 $0xC900  }
0xb2: {  	[tilespmem:s31], [sflag:$0x2] =	stream.indirect_vreg.gather [hbm4b:s13+s3], $0x80, v2, vm0, $0xb8;
	[tilespmem:$0x10100] =	vst v63  }
0xb3: {  	s31 =	simm.s32 $0xD100  }
0xb4: {  	[tilespmem:s31], [sflag:$0x2] =	stream.indirect_vreg.gather [hbm4b:s14+s3], $0x80, v2, vm0, $0xb8;
	[tilespmem:$0x10100] =	vst v63  }
0xb5: {  	s31 =	simm.s32 $0xD900  }
0xb6: {  	[tilespmem:s31], [sflag:$0x2] =	stream.indirect_vreg.gather [hbm4b:s15+s3], $0x80, v2, vm0, $0xb8;
	[tilespmem:$0x10100] =	vst v63  }
0xb7: {  	s31 =	simm.s32 $0xE100  }
0xb8: {  	[tilespmem:s31], [sflag:$0x2] =	stream.indirect_vreg.gather [hbm4b:s16+s3], $0x80, v2, vm0, $0xb8;
	[tilespmem:$0x10100] =	vst v63  }
0xb9: {  	p0 =	sne.s32 s23, $0x380;
	s31 =	simm.s32 $0xE900  }
0xba: {  	[tilespmem:s31], [sflag:$0x2] =	stream.indirect_vreg.gather [hbm4b:s17+s3], $0x80, v2, vm0, $0xb8;
	[tilespmem:$0x10100] =	vst v63  }
.Ltmp0:
0xbb: {  	_ = 	snop;
	(pc) =	sbr.rel @p0 .LBB2_2-.Ltmp0, $4  }
0xbc: {  	s29 =	simm.s32 $0x100;
	s31 =	simm.s32 $0xF100  }
0xbd: {  	[tilespmem:s31], [sflag:$0x2] =	stream.indirect_vreg.gather [hbm4b:s18+s3], $0x80, v2, vm0, $0xb8;
	[tilespmem:$0x10100] =	vst v63  }
0xbe: {  	s22 =	sadd.s32 $0x2000, s22;
	s23 =	sadd.s32 $0x40, s23;
	s24 =	simm.s32 $0x8100  }
0xbf: {  	[tilespmem:s2], [sflag:$0x2] =	stream.indirect_vreg.gather [hbm4b:s19+s3], $0x80, v2, vm0, $0xb8;
	[tilespmem:$0x10100] =	vst v63  }
0xc0: {  	_ =	swait.ge [sflag:s1], $0x8000  }
0xc1: {  	[sflag:s1] =	ssyncset.done $0x0  }
0xc2: {  	s22 =	rddreg [dreg:$0x5];
	[sflag:s1] =	ssyncadd.s32 $0xFFFF8000  }
0xc3: {  	[hbm4b:s22+s3] =	stream.linear.scatter [tilespmem:s29], [sflag:$0x3], $0x8000, $0x38;
	[tilespmem:$0x10100] =	vst v63  }
0xc4: {  	_ =	swait.ge [sflag:s4], $0x8000  }
0xc5: {  	[sflag:s4] =	ssyncset.done $0x0  }
0xc6: {  	s23 =	rddreg [dreg:$0x6];
	[sflag:s4] =	ssyncadd.s32 $0xFFFF8000  }
0xc7: {  	[hbm4b:s23+s3] =	stream.linear.scatter [tilespmem:s24], [sflag:$0x4], $0x8000, $0x38;
	[tilespmem:$0x10100] =	vst v63  }
0xc8: {  	_ =	swait.ge [sflag:s20], $0x8000  }
0xc9: {  	[sflag:s20] =	ssyncset.done $0x0  }
0xca: {  	[sflag:s20] =	ssyncadd.s32 $0xFFFF8000  }
0xcb: {  	_ =	swait.ge [sflag:s21], $0x8000  }
0xcc: {  	s0 =	rddreg [dreg:$0x9]  }
0xcd: {  	s26 =	rddreg [dreg:$0x7];
	s0 =	sadd.s32 $0x1, s0  }
0xce: {  	p0 =	sne.s32 s0, s26  }
.Ltmp1:
0xcf: {  	_ = 	snop;
	(pc) =	sbr.rel @p0 .LBB2_1-.Ltmp1, $4  }
0xd0: {  	_ = 	snop  }
0xd1: {  	s28 =	simm.s32 $0x2100;
	s2 =	simm.s32 $0x3100;
	[sflag:s21] =	ssyncset.done $0x0  }
0xd2: {  	s31 =	simm.s32 $0x4100;
	s23 =	simm.s32 $0x1100;
	[sflag:s21] =	ssyncadd.s32 $0xFFFF8000  }
0xd3: {  	[dreg:$0x9] =	wrdreg s0;
	s26 =	simm.s32 $0x1900;
	s0 =	simm.s32 $0x2900  }
0xd4: {  	_ =	sfence.sel $0x180000  }
0xd5: {  	[bflag:$0x0] =	sbarrier.arrive $0xFFFF  }
0xd6: {  	_ =	strace $0x90000047  }
0xd7: {  	s0 =	stileid.u32;
	[bflag:$0x2] =	sbarrier.arrive $0xFFFF  }
0xd8: {  	p0 =	sne.s32 s0, $0x0;
	s0 =	rddreg [dreg:$0x3]  }
0xd9: {  	s0 =	sadd.s32 @!p0 $0x100000, s0  }
0xda: {  	[sflag:s0] =	ssyncadd.tile.s32 @!p0 $0x1;
	_ =	shalt  }
.Lfunc_end2:
_tile_overlayer_lowered:
.L_overlay_start_2:
0xdb: {  	(tag) =	ssettag $0x2  }
0xdc: {  	s0 =	rddreg [dreg:$0x0];
	s2 =	stileid.u32  }
0xdd: {  	s1 =	rddreg [dreg:$0x1];
	p0 =	sne.s32 s2, $0x0  }
0xde: {  	s3 =	rddreg [dreg:$0x2];
	[bflag:$0x3] =	sbarrier.arrive $0xFFFF;
	s2 =	simm.s32 @!p0 $0x1C05  }
0xdf: {  	[timem:s3], [sflag:s2] =	dma.local @!p0 [hbm:s0], s1  }
0xe0: {  	s0 =	simm.s32 @!p0 $0x5  }
0xe1: {  	_ =	swait.ge @!p0 [sflag:s0], s1  }
0xe2: {  	s1 =	ssub.s32 @!p0 $0x0, s1;
	[sflag:s0] =	ssyncset.done @!p0 $0x0  }
0xe3: {  	[sflag:s0] =	ssyncadd.s32 @!p0 s1  }
0xe4: {  	[bflag:$0x3] =	sbarrier.arrive $0xFFFF  }
0xe5: {  	_ =	shalt  }

</sc_bundles>
